<compile_context>
chip_gen: v7x
topology: tpu7x:2x2x1
jax: 0.10.2.dev20260603
libtpu: 0.0.44.dev20260713+nightly
codegen_flags: <defaults>
</compile_context>

<pallas_src>
import jax
import jax.numpy as jnp
from jax.experimental import pallas as pl
from jax.experimental.pallas import tpu as pltpu

_B = 1024
_H = 50
_K = 64
_C = 256
_W = _H * _K // 128
_CR = _C * _W
_R = _B // _C
_Q = 4096 // _B


def _probe_body(x_ref, oe_ref, oo_ref, acc_ref):
    q = pl.program_id(1)

    lane = jax.lax.broadcasted_iota(jnp.int32, (128, 128), 0)
    col = jax.lax.broadcasted_iota(jnp.int32, (128, 128), 1)
    sel = (col == (lane // _K) * _K).astype(jnp.float32)

    a = jnp.abs(x_ref[...])
    s = jax.lax.dot_general(
        a, sel, (((1,), (0,)), ((), ())),
        preferred_element_type=jnp.float32,
    )
    rz = (s == 0.0).astype(jnp.float32)

    @pl.when(q == 0)
    def _init():
        acc_ref[...] = rz

    @pl.when(q > 0)
    def _acc():
        acc_ref[...] += rz

    @pl.when(q == _Q - 1)
    def _emit():
        g = acc_ref[...].reshape(_C, _W, 128)
        oe_ref[...] = g[:, :, 0]
        oo_ref[...] = g[:, :, _K]


def kernel(x, seen):
    x0 = x[:, 0].reshape(4096 * _W, 128)
    oe, oo = pl.pallas_call(
        _probe_body,
        grid=(_R, _Q),
        in_specs=[pl.BlockSpec((_CR, 128), lambda r, q: (r + _R * q, 0))],
        out_specs=[
            pl.BlockSpec((_C, _W), lambda r, q: (r, 0)),
            pl.BlockSpec((_C, _W), lambda r, q: (r, 0)),
        ],
        out_shape=[
            jax.ShapeDtypeStruct((_B, _W), jnp.float32),
            jax.ShapeDtypeStruct((_B, _W), jnp.float32),
        ],
        scratch_shapes=[pltpu.VMEM((_CR, 128), jnp.float32)],
    )(x0)
    buf = jnp.stack([oe, oo], axis=-1).reshape(_B, _H)
    return (x, seen + buf)

# --- scband reference (transcript-rebuilt; emitter-appended) ---
"""Pipeline reference for scband-probe-identity-34205119545578 (READ-ONLY COPY).

The authoritative reference and input builder live on the scoring server;
editing this copy changes nothing except your own understanding.
"""

import jax, jax.numpy as jnp
import numpy as np

B = 1024
H = 50


def setup_inputs(seed: int = 0) -> dict:
    key = jax.random.key(seed)
    x = jax.random.normal(key, (4096, 2, H, 64), dtype=jnp.float32)
    # learned/stateful buffer 'seen' sized per init_kwargs (B, H)
    seen = jnp.zeros((B, H), dtype=jnp.float32)
    return {"x": x, "seen": seen}


def reference(x, seen):
    # faithful translation of ProbeIdentity.forward
    assert x.ndim == 4
    assert x.shape[2] == H
    N = x.shape[0]
    # row_zero: [N, H] bool, True where the channel-0 trace row is all zeros
    row_zero = (jnp.sum(jnp.abs(x[:, 0]), axis=-1) == 0)
    b_idx = (jnp.arange(N) % B).astype(jnp.int32)
    add = row_zero.astype(jnp.float32)
    # buf = zeros_like(seen); buf.index_add_(0, b_idx, add)
    buf = jnp.zeros_like(seen).at[b_idx].add(add)
    seen_new = seen + buf
    # torch module returns x and mutates the buffer in place; we return both
    # so the scatter-accumulate stays live under jit.
    return (x, seen_new)

if __name__ == "__main__":
    import jax
    _d = setup_inputs()
    print(jax.jit(kernel)(*tuple(_d.values())))

</pallas_src>

<mosaic_0001>
module attributes {stable_mosaic.version = 14 : i64} {
  func.func @_probe_body(%arg0: i32, %arg1: i32, %arg2: memref<6400x128xf32, #tpu.memory_space<vmem>>, %arg3: memref<256x25xf32, #tpu.memory_space<vmem>>, %arg4: memref<256x25xf32, #tpu.memory_space<vmem>>, %arg5: memref<6400x128xf32, #tpu.memory_space<vmem>>) attributes {dimension_semantics = [#tpu.dimension_semantics<arbitrary>, #tpu.dimension_semantics<arbitrary>], iteration_bounds = array<i64: 4, 4>, scalar_prefetch = 0 : i64, scratch_operands = 1 : i64, tpu.core_type = #tpu.core_type<tc>, window_params = [{transform_indices = @transform_0, window_bounds = array<i64: 6400, 128>}, {transform_indices = @transform_1, window_bounds = array<i64: 256, 25>}, {transform_indices = @transform_2, window_bounds = array<i64: 256, 25>}]} {
    %iota3A = tpu.iota {dimensions = array<i32: 0>} : vector<128x128xi32>
    %iota3A_0 = tpu.iota {dimensions = array<i32: 1>} : vector<128x128xi32>
    %jit3A = arith.constant 64 : i32
    %div3A = vector.broadcast %jit3A : i32 to vector<128x128xi32>
    %div3A_1 = arith.divsi %iota3A, %div3A : vector<128x128xi32>
    %sign3A = arith.constant 0 : i32
    %sign3A_2 = vector.broadcast %sign3A : i32 to vector<128x128xi32>
    %sign3A_3 = arith.cmpi sgt, %iota3A, %sign3A_2 : vector<128x128xi32>
    %sign3A_4 = arith.extui %sign3A_3 : vector<128x128xi1> to vector<128x128xi32>
    %sign3A_5 = arith.constant 0 : i32
    %sign3A_6 = vector.broadcast %sign3A_5 : i32 to vector<128x128xi32>
    %sign3A_7 = arith.cmpi slt, %iota3A, %sign3A_6 : vector<128x128xi32>
    %sign3A_8 = arith.extui %sign3A_7 : vector<128x128xi1> to vector<128x128xi32>
    %sign3A_9 = arith.subi %sign3A_4, %sign3A_8 : vector<128x128xi32>
    %sign3A_10 = arith.constant 0 : i32
    %sign3A_11 = arith.cmpi sgt, %jit3A, %sign3A_10 : i32
    %sign3A_12 = arith.extui %sign3A_11 : i1 to i32
    %sign3A_13 = arith.constant 0 : i32
    %sign3A_14 = arith.cmpi slt, %jit3A, %sign3A_13 : i32
    %sign3A_15 = arith.extui %sign3A_14 : i1 to i32
    %sign3A_16 = arith.subi %sign3A_12, %sign3A_15 : i32
    %ne3A = vector.broadcast %sign3A_16 : i32 to vector<128x128xi32>
    %ne3A_17 = arith.cmpi ne, %sign3A_9, %ne3A : vector<128x128xi32>
    %rem3A = vector.broadcast %jit3A : i32 to vector<128x128xi32>
    %rem3A_18 = arith.remsi %iota3A, %rem3A : vector<128x128xi32>
    %ne3A_19 = arith.constant 0 : i32
    %ne3A_20 = vector.broadcast %ne3A_19 : i32 to vector<128x128xi32>
    %ne3A_21 = arith.cmpi ne, %rem3A_18, %ne3A_20 : vector<128x128xi32>
    %and3A = arith.andi %ne3A_17, %ne3A_21 : vector<128x128xi1>
    %sub3A = arith.constant 1 : i32
    %sub3A_22 = vector.broadcast %sub3A : i32 to vector<128x128xi32>
    %sub3A_23 = arith.subi %div3A_1, %sub3A_22 : vector<128x128xi32>
    %select_n3A = arith.select %and3A, %sub3A_23, %div3A_1 : vector<128x128xi1>, vector<128x128xi32>
    %mul3A = arith.constant 64 : i32
    %mul3A_24 = vector.broadcast %mul3A : i32 to vector<128x128xi32>
    %mul3A_25 = arith.muli %select_n3A, %mul3A_24 : vector<128x128xi32>
    %eq3A = arith.cmpi eq, %iota3A_0, %mul3A_25 : vector<128x128xi32>
    %convert_element_type3A = arith.extui %eq3A : vector<128x128xi1> to vector<128x128xi32>
    %convert_element_type3A_26 = arith.sitofp %convert_element_type3A : vector<128x128xi32> to vector<128x128xf32>
    %get3A = arith.constant 0 : index
    %get3A_27 = arith.constant 0 : index
    %get3A_28 = vector.load %arg2[%get3A, %get3A_27] : memref<6400x128xf32, #tpu.memory_space<vmem>>, vector<6400x128xf32>
    %abs3A = math.absf %get3A_28 : vector<6400x128xf32>
    %dot_general3A = arith.constant dense<0.000000e+00> : vector<6400x128xf32>
    %dot_general3A_29 = tpu.matmul %abs3A, %convert_element_type3A_26, %dot_general3A {dimension_numbers = #tpu.dot_dimension_numbers<[1], [0], [0], [1], [0, 0, 1, 1], [], []>, transpose_lhs_hint = false} : vector<6400x128xf32>, vector<128x128xf32>, vector<6400x128xf32> -> vector<6400x128xf32>
    %eq3A_30 = arith.constant 0.000000e+00 : f32
    %eq3A_31 = vector.broadcast %eq3A_30 : f32 to vector<6400x128xf32>
    %eq3A_32 = arith.cmpf oeq, %dot_general3A_29, %eq3A_31 : vector<6400x128xf32>
    %convert_element_type3A_33 = arith.extui %eq3A_32 : vector<6400x128xi1> to vector<6400x128xi32>
    %convert_element_type3A_34 = arith.sitofp %convert_element_type3A_33 : vector<6400x128xi32> to vector<6400x128xf32>
    %eq3A_35 = arith.constant 0 : i32
    %eq3A_36 = arith.cmpi eq, %arg1, %eq3A_35 : i32
    %convert_element_type3A_37 = arith.extui %eq3A_36 : i1 to i32
    %cond3A = arith.constant 0 : i32
    %cond3A_38 = arith.cmpi ne, %convert_element_type3A_37, %cond3A : i32
    scf.if %cond3A_38 {
      %swap3A = arith.constant 0 : index
      %swap3A_48 = arith.constant 0 : index
      %swap3A_49 = vector.load %arg5[%swap3A, %swap3A_48] : memref<6400x128xf32, #tpu.memory_space<vmem>>, vector<6400x128xf32>
      tpu.vector_store %arg5[%swap3A, %swap3A_48], %convert_element_type3A_34 {strides = array<i32>} : memref<6400x128xf32, #tpu.memory_space<vmem>>, vector<6400x128xf32>,
    } else {
    }
    %gt3A = arith.constant 0 : i32
    %gt3A_39 = arith.cmpi sgt, %arg1, %gt3A : i32
    %convert_element_type3A_40 = arith.extui %gt3A_39 : i1 to i32
    %cond3A_41 = arith.constant 0 : i32
    %cond3A_42 = arith.cmpi ne, %convert_element_type3A_40, %cond3A_41 : i32
    scf.if %cond3A_42 {
      %get3A_48 = arith.constant 0 : index
      %get3A_49 = arith.constant 0 : index
      %get3A_50 = vector.load %arg5[%get3A_48, %get3A_49] : memref<6400x128xf32, #tpu.memory_space<vmem>>, vector<6400x128xf32>
      %add3A = arith.addf %get3A_50, %convert_element_type3A_34 : vector<6400x128xf32>
      %swap3A = arith.constant 0 : index
      %swap3A_51 = arith.constant 0 : index
      %swap3A_52 = vector.load %arg5[%swap3A, %swap3A_51] : memref<6400x128xf32, #tpu.memory_space<vmem>>, vector<6400x128xf32>
      tpu.vector_store %arg5[%swap3A, %swap3A_51], %add3A {strides = array<i32>} : memref<6400x128xf32, #tpu.memory_space<vmem>>, vector<6400x128xf32>,
    } else {
    }
    %eq3A_43 = arith.constant 3 : i32
    %eq3A_44 = arith.cmpi eq, %arg1, %eq3A_43 : i32
    %convert_element_type3A_45 = arith.extui %eq3A_44 : i1 to i32
    %cond3A_46 = arith.constant 0 : i32
    %cond3A_47 = arith.cmpi ne, %convert_element_type3A_45, %cond3A_46 : i32
    scf.if %cond3A_47 {
      %get3A_48 = arith.constant 0 : index
      %get3A_49 = arith.constant 0 : index
      %get3A_50 = vector.load %arg5[%get3A_48, %get3A_49] : memref<6400x128xf32, #tpu.memory_space<vmem>>, vector<6400x128xf32>
      %reshape3A = vector.shape_cast %get3A_50 : vector<6400x128xf32> to vector<256x25x128xf32>
      %slice3A = vector.extract_strided_slice %reshape3A {offsets = [0, 0, 0], sizes = [256, 25, 1], strides = [1, 1, 1]} : vector<256x25x128xf32> to vector<256x25x1xf32>
      %squeeze3A = vector.shape_cast %slice3A : vector<256x25x1xf32> to vector<256x25xf32>
      %swap3A = arith.constant 0 : index
      %swap3A_51 = arith.constant 0 : index
      %swap3A_52 = vector.load %arg3[%swap3A, %swap3A_51] : memref<256x25xf32, #tpu.memory_space<vmem>>, vector<256x25xf32>
      tpu.vector_store %arg3[%swap3A, %swap3A_51], %squeeze3A {strides = array<i32>} : memref<256x25xf32, #tpu.memory_space<vmem>>, vector<256x25xf32>,
      %slice3A_53 = vector.extract_strided_slice %reshape3A {offsets = [0, 0, 64], sizes = [256, 25, 1], strides = [1, 1, 1]} : vector<256x25x128xf32> to vector<256x25x1xf32>
      %squeeze3A_54 = vector.shape_cast %slice3A_53 : vector<256x25x1xf32> to vector<256x25xf32>
      %swap3A_55 = arith.constant 0 : index
      %swap3A_56 = arith.constant 0 : index
      %swap3A_57 = vector.load %arg4[%swap3A_55, %swap3A_56] : memref<256x25xf32, #tpu.memory_space<vmem>>, vector<256x25xf32>
      tpu.vector_store %arg4[%swap3A_55, %swap3A_56], %squeeze3A_54 {strides = array<i32>} : memref<256x25xf32, #tpu.memory_space<vmem>>, vector<256x25xf32>,
    } else {
    }
    return
  }
  func.func @transform_0(%arg0: i32, %arg1: i32) -> (i32, i32) {
    %mul3A = arith.constant 4 : i32
    %mul3A_0 = arith.muli %mul3A, %arg1 : i32
    %add3A = arith.addi %arg0, %mul3A_0 : i32
    %c0_i32 = arith.constant 0 : i32
    %c0_i32_1 = arith.constant 0 : i32
    return %add3A, %c0_i32 : i32, i32
  }
  func.func @transform_1(%arg0: i32, %arg1: i32) -> (i32, i32) {
    %c0_i32 = arith.constant 0 : i32
    %c0_i32_0 = arith.constant 0 : i32
    return %arg0, %c0_i32 : i32, i32
  }
  func.func @transform_2(%arg0: i32, %arg1: i32) -> (i32, i32) {
    %c0_i32 = arith.constant 0 : i32
    %c0_i32_0 = arith.constant 0 : i32
    return %arg0, %c0_i32 : i32, i32
  }
}

</mosaic_0001>

<sc_bundles>
// kernel: sparse-core-data-format-call.cloned.1.call-start
scs
called_computation_lowered:
.L_overlay_start_0:
0x0: {  	s2 =	sld [smem:$0x3FD9]  }
0x1: {  	s3 =	sld [smem:$0x3FFE];
	_ =	sdelay $0x1  }
0x2: {  	s1 =	srdreg.scid  }
0x3: {  	s0 =	sand.u32 $0x1, s1  }
0x4: {  	s15 =	sshll.u32 s0, $0xA;
	s2 =	sadd.s32 s3, s2  }
0x5: {  	s2 =	sadd.s32 s2, s15  }
0x6: {  	[smem:$0x3FC6] =	sst s2  }
0x7: {  	_ = 	snop  }
0x8: {  	s2 =	sld [smem:$0x3FD0];
	_ =	sdelay $0x2  }
0x9: {  	s16 =	simm.s32 $0xA;
	s4 =	simm.s32 $0x10  }
0xa: {  	[smem:s4], [sflag:s16] =	dma.local [hbm:s2], $0x1  }
0xb: {  	_ =	swait.eq [sflag:s16], $0x1  }
0xc: {  	[sflag:s16] =	ssyncset.done $0x0  }
0xd: {  	[sflag:s16] =	ssyncadd.s32 $0xFFFFFFFF  }
0xe: {  	s17 =	sld [smem:$0x10];
	(tm) =	ssettm $0x1  }
0xf: {  	s18 =	sld [smem:$0x3FFB];
	_ =	sdelay $0x3  }
0x10: {  	_ =	strace s18  }
0x11: {  	s3 =	sld [smem:$0x3FFC];
	_ =	sdelay $0x3  }
0x12: {  	_ =	strace s3  }
0x13: {  	s3 =	sld [smem:$0x3FFD];
	_ =	sdelay $0x3  }
0x14: {  	_ =	strace s3  }
0x15: {  	_ =	strace $0x8FFFFFFF  }
0x16: {  	s19 =	sld [smem:$0x3FDB];
	_ =	sdelay $0x1  }
0x17: {  	s20 =	simm.s32 $_scs_section_size  }
0x18: {  	s5 =	simm.s32 $_size__tile_overlayer_lowered;
	s6 =	simm.s32 $_tile_overlayer_lowered  }
0x19: {  	s23 =	simm.s32 $0x1BFF;
	s22 =	sshll.u32 s6, $0x1;
	s3 =	sadd.s32 s20, s19  }
0x1a: {  	s7 =	simm.s32 $0x0;
	s21 =	sshll.u32 s5, $0x1;
	s5 =	sadd.s32 s22, s3  }
0x1b: {  	[timem:s7], [sflag:s23] =	dma.local [hbm:s5], s21  }
0x1c: {  	_ =	swait.ge [sflag:s23], s21  }
0x1d: {  	s4 =	ssub.s32 $0x0, s21;
	[sflag:s23] =	ssyncset.done $0x0  }
0x1e: {  	[sflag:s23] =	ssyncadd.s32 s4;
	_ =	sdelay $0x1  }
0x1f: {  	s24 =	simm.s32 $0x1B8B  }
0x20: {  	_ =	swait.ge [sflag:s24], $0x1  }
0x21: {  	[sflag:s24] =	ssyncset.done $0x0  }
0x22: {  	s26 =	simm.s32 $0x1B8E;
	s25 =	sld [smem:$0x3FFE];
	[sflag:s24] =	ssyncadd.s32 $0xFFFFFFFF  }
0x23: {  	s27 =	simm.s32 $execute0_lowered;
	[smem:$0x3FD2] =	sst s26  }
0x24: {  	s5 =	sshll.u32 s27, $0x1;
	_ =	strace $0x80000046;
	[dreg:$0x1] =	wrdreg $0xFFFFFFFF  }
0x25: {  	s28 =	simm.s32 $_size_execute0_lowered;
	s3 =	sadd.s32 s3, s5;
	[dreg:$0x0] =	wrdreg $0x0  }
0x26: {  	s5 =	sshll.u32 s28, $0x1;
	[dreg:$0x2] =	wrdreg s3  }
0x27: {  	[dreg:$0x3] =	wrdreg s5  }
0x28: {  	[dreg:$0x4] =	wrdreg $0xC0  }
0x29: {  	_ =	task [dreg:s7], $0x5FFFF  }
0x2a: {  	[dreg:$0x1] =	wrdreg $0xFFFFFFFF  }
0x2b: {  	[dreg:$0x0] =	wrdreg $0x60  }
0x2c: {  	[dreg:$0x2] =	wrdreg s17  }
0x2d: {  	[dreg:$0x3] =	wrdreg s25  }
0x2e: {  	[dreg:$0x4] =	wrdreg $0x9  }
0x2f: {  	_ =	task.clear_ibuf [dreg:s7], $0x5FFFF;
	_ =	strace $0x90000046  }
0x30: {  	s29 =	simm.s32 $0x9;
	_ =	strace $0x80000048  }
0x31: {  	_ =	swait.ge [sflag:s29], $0x1  }
0x32: {  	[sflag:s29] =	ssyncadd.s32 $0xFFFFFFFF  }
0x33: {  	_ =	strace $0x90000048  }
0x34: {  	_ =	sfence  }
0x35: {  	s30 =	sld [smem:$0x0];
	_ =	sdelay $0x2  }
0x36: {  	s31 =	sshll.u32 s1, $0xD;
	s1 =	sshrl.u32 s1, $0x2  }
0x37: {  	s3 =	sand.u32 $0x4000, s31;
	s1 =	sadd.s32 s1, s30  }
0x38: {  	s0 =	sor.u32 s3, s0;
	s1 =	sshll.u32 s1, $0x11  }
0x39: {  	s0 =	sor.u32 s1, s0  }
0x3a: {  	s0 =	sadd.s32 $0x8F2B, s0  }
0x3b: {  	[sflag:s0] =	ssyncadd.remote.s32 $0x1  }
0x3c: {  	_ =	sfence.sel $0xFFFF  }
0x3d: {  	[dreg:$0x0] =	wrdreg $0xFFFFFFFF;
	(pc) =	sbr.abs _section_cstart, $3  }
0x3e: {  	[dreg:$0x1] =	wrdreg $0xFFFFFFFF  }
0x3f: {  	_ =	task.clear_ibuf [dreg:s7], $0x2FFFF;
	_ =	strace $0x9FFFFFFF  }
0x40: {  	(tm) =	ssettm $0x7FFFFFFF  }
0x41: {  	_ =	shalt  }
tec
execute0_lowered:
.L_overlay_start_1:
0x0: {  	(tag) =	ssettag $0x1  }
0x1: {  	s0 =	stileid.u32;
	s7 =	rddreg [dreg:$0x0]  }
0x2: {  	s1 =	srdreg.scid;
	s6 =	rddreg [dreg:$0x1];
	s31 =	simm.s32 $0x2  }
0x3: {  	s13 =	simm.s32 $0x0;
	s2 =	sshll.u32 s0, $0x7;
	s1 =	sshll.u32 s1, $0xB  }
0x4: {  	s10 =	simm.s32 $0x1C00;
	s1 =	sor.u32 s2, s1;
	s2 =	sand.u32 $0x1, s0  }
0x5: {  	s14 =	simm.s32 $0x0;
	s1 =	sand.u32 $0xF00, s1;
	s4 =	ssub.s32 $0x32, s2  }
0x6: {  	s12 =	simm.s32 $0x0;
	s3 =	ssub.s32 $0x1000, s1;
	s8 =	sshrl.u32 s4, $0x1  }
0x7: {  	s4 =	sand.u32 $0x1, s4;
	s5 =	sand.u32 $0xF00, s3;
	s9 =	sshrl.u32 s3, $0xC  }
0x8: {  	s3 =	rddreg [dreg:$0x2];
	p0 =	sne.s32 s5, $0x0;
	s5 =	simm.s32 $0x1  }
.Ltmp0:
0x9: {  	s8 =	sadd.s32 s4, s8;
	s5 =	simm.s32 @!p0 $0x0;
	(pc) =	sbr.rel .LBB1_1-.Ltmp0, $4  }
0xa: {  	_ =	strace $0x80000047;
	s4 =	simm.s32 $0x1;
	s5 =	sadd.s32 s5, s9  }
0xb: {  	s6 =	sadd.s32 $0x800, s6;
	[sflag:s4] =	ssyncpa.u1 $0x0;
	s5 =	smul.u32 s8, s5  }
0xc: {  	s11 =	smov.u32 s2;
	s7 =	sadd.s32 s7, s1;
	[sflag:s31] =	ssyncpa.u1 $0x0  }
0xd: {  	p0 =	por $0x0, $0x0;
	s9 =	simm.s32 $0x40;
	s8 =	sadd.s32 $0x1, s5  }
.LBB1_4:
0xe: {  	_ = 	snop  }
0xf: {  	[tilespmem:s19+$0x1860 ss:$0x41] =	vst.msk $0xffff, v8  }
0x10: {  	[tilespmem:s19+$0x1C70 ss:$0x41] =	vst.msk $0xffff, v7  }
0x11: {  	[tilespmem:s19+$0x2490 ss:$0x41] =	vst.msk $0xffff, v1  }
0x12: {  	s22 =	sor.u32 s25, s24;
	v47 =	vld.idx.msk [tilespmem:v0+s17+$0x470 ss:$0x1], $0xffff;
	[tilespmem:s19+$0x28A0 ss:$0x41] =	vst.msk $0xffff, v2  }
0x13: {  	[tilespmem:s19+$0x2CB0 ss:$0x41] =	vst.msk $0xffff, v3;
	v57 =	vld.idx.msk [tilespmem:v0+s22+$0x410 ss:$0x1], $0xffff  }
0x14: {  	[tilespmem:s19+$0x30C0 ss:$0x41] =	vst.msk $0xffff, v4;
	v58 =	vld.idx.msk [tilespmem:v0+s22+$0x420 ss:$0x1], $0xffff  }
0x15: {  	[tilespmem:s19+$0x34D0 ss:$0x41] =	vst.msk $0xffff, v5;
	v59 =	vld.idx.msk [tilespmem:v0+s22+$0x430 ss:$0x1], $0xffff  }
0x16: {  	s30 =	sshra.s32 s20, $0x2;
	[tilespmem:s19+$0x38E0 ss:$0x41] =	vst.msk $0xffff, v6;
	v60 =	vld.idx.msk [tilespmem:v0+s22+$0x440 ss:$0x1], $0xffff  }
0x17: {  	s23 =	sand.u32 $0x3B00, s22;
	s17 =	sadd.s32 s30, s18;
	v61 =	vld.idx.msk [tilespmem:v0+s22+$0x450 ss:$0x1], $0xffff;
	[tilespmem:s19+$0x3CF0 ss:$0x41] =	vst.msk $0xffff, v47  }
0x18: {  	s21 =	sand.u32 $0x80, s21;
	v62 =	vld.idx.msk [tilespmem:v0+s22+$0x460 ss:$0x1], $0xffff;
	s16 =	sadd.s32 s23, s16;
	[tilespmem:s17+$0x2490 ss:$0x41] =	vst.msk $0xffff, v57  }
0x19: {  	v63 =	vld.idx.msk [tilespmem:v0+s22+$0x470 ss:$0x1], $0xffff;
	s16 =	sadd.s32 s21, s16;
	[tilespmem:s17+$0x28A0 ss:$0x41] =	vst.msk $0xffff, v58  }
0x1a: {  	v48 =	vld [tilespmem:s16+$0x400];
	[tilespmem:s17+$0x2CB0 ss:$0x41] =	vst.msk $0xffff, v59  }
0x1b: {  	v49 =	vld [tilespmem:s16+$0x0];
	[tilespmem:s17+$0x30C0 ss:$0x41] =	vst.msk $0xffff, v60  }
0x1c: {  	v50 =	vld [tilespmem:s16+$0x10];
	[tilespmem:s17+$0x34D0 ss:$0x41] =	vst.msk $0xffff, v61  }
0x1d: {  	v51 =	vld [tilespmem:s16+$0x20];
	[tilespmem:s17+$0x38E0 ss:$0x41] =	vst.msk $0xffff, v62  }
0x1e: {  	v52 =	vld [tilespmem:s16+$0x30];
	[tilespmem:s17+$0x3CF0 ss:$0x41] =	vst.msk $0xffff, v63  }
0x1f: {  	v53 =	vld [tilespmem:s16+$0x40];
	[tilespmem:s17+$0x2080 ss:$0x41] =	vst.msk $0xffff, v48  }
0x20: {  	s14 =	sand.u32 $0x1FFFFFF, s14;
	v54 =	vld [tilespmem:s16+$0x50];
	[tilespmem:s17+$0x0 ss:$0x41] =	vst.msk $0xffff, v49  }
0x21: {  	s31 =	smulhi.u32 $0x4924925, s14;
	v55 =	vld [tilespmem:s16+$0x60];
	[tilespmem:s17+$0x410 ss:$0x41] =	vst.msk $0xffff, v50  }
0x22: {  	v56 =	vld [tilespmem:s16+$0x70];
	[tilespmem:s17+$0x820 ss:$0x41] =	vst.msk $0xffff, v51  }
0x23: {  	s16 =	smul.u32 $0x38, s31;
	[tilespmem:s17+$0xC30 ss:$0x41] =	vst.msk $0xffff, v52  }
0x24: {  	s13 =	smul.u32 $0x380, s13;
	[tilespmem:s17+$0x1040 ss:$0x41] =	vst.msk $0xffff, v53  }
0x25: {  	s14 =	ssub.s32 s14, s16;
	[tilespmem:s17+$0x1450 ss:$0x41] =	vst.msk $0xffff, v54  }
0x26: {  	s13 =	sadd.s32 s6, s13;
	s14 =	sshll.u32 s14, $0x4;
	[tilespmem:s17+$0x1860 ss:$0x41] =	vst.msk $0xffff, v55  }
0x27: {  	s13 =	sadd.s32 s14, s13;
	[tilespmem:s17+$0x1C70 ss:$0x41] =	vst.msk $0xffff, v56  }
0x28: {  	[hbm4b:s13+s9] =	stream.strided.scatter [tilespmem:s15], [sflag:$0x2], $0x4000, s10, s9, $0x18;
	[tilespmem:$0x10200] =	vst v63  }
.LBB1_5:
0x29: {  	s15 =	sadd.s32 $0x2, s11  }
0x2a: {  	p2 =	sgt.s32 s15, $0x31  }
0x2b: {  	s15 =	smov.u32 @p2 s2;
	p2 =	sne.s32 s12, s8  }
.Ltmp1:
0x2c: {  	p1 =	slt.u32 s12, $0x2;
	(pc) =	sbr.rel @!p2 .LBB1_6-.Ltmp1, $4  }
0x2d: {  	s13 =	simm.s32 @!p1 $0x2  }
0x2e: {  	s16 =	sadd.s32 $0x1, s12;
	s14 =	smov.u32 s11;
	_ =	swait.ge @!p1 [sflag:s13], $0x4000  }
0x2f: {  	p0 =	por !p0, !p0;
	s12 =	smov.u32 s16;
	[sflag:s13] =	ssyncset.done @!p1 $0x0  }
0x30: {  	s11 =	smov.u32 s15;
	[sflag:s13] =	ssyncadd.s32 @!p1 $0xFFFFC000;
	s13 =	smov.u32 s1  }
.LBB1_1:
0x31: {  	p1 =	sge.u32 s12, s5  }
0x32: {  	s31 =	sadd.s32 $0xFFFFFFFF, s12;
	s15 =	sxor.u32 @!p1 $0xFFFFFFFF, s12  }
0x33: {  	s16 =	sshll.u32 @!p1 s11, $0xF;
	s17 =	simm.s32 @!p1 $0x800;
	s15 =	sshll.u32 @!p1 s15, $0xE  }
0x34: {  	s18 =	simm.s32 @!p1 $0x8000;
	s16 =	sadd.s32 @!p1 s16, s7;
	s15 =	sand.u32 @!p1 $0x4000, s15  }
0x35: {  	[tilespmem:s15], [sflag:$0x1] =	stream.strided.gather @!p1 [hbm4b:s16+s17], $0x4000, s18, s17, $0x38;
	[tilespmem:$0x10200] =	vst v63  }
0x36: {  	p1 =	sge.u32 s31, s5  }
.Ltmp2:
0x37: {  	_ = 	snop;
	(pc) =	sbr.rel @p1 .LBB1_5-.Ltmp2, $1  }
0x38: {  	_ =	sdelay $0x3  }
0x39: {  	s18 =	simm.s32 $0x0  }
0x3a: {  	s17 =	sand.u32 $0x3800, s18;
	s19 =	sand.u32 $0x380, s18  }
0x3b: {  	s15 =	sand.u32 $0x1, s12;
	s17 =	sor.u32 s19, s17  }
0x3c: {  	_ =	swait.ge [sflag:s4], $0x4000;
	s16 =	sshll.u32 s15, $0xE;
	s19 =	sand.u32 $0x3B00, s17  }
0x3d: {  	[sflag:s4] =	ssyncset.done $0x0;
	s18 =	sand.u32 $0x80, s18;
	s19 =	sadd.s32 s19, s16  }
0x3e: {  	[sflag:s4] =	ssyncadd.s32 $0xFFFFC000;
	s21 =	sadd.s32 s18, s19  }
0x3f: {  	v4 =	vld [tilespmem:s21+$0x400]  }
0x40: {  	s20 =	simm.s32 $0x1;
	v5 =	vld [tilespmem:s21+$0x0]  }
0x41: {  	s20 =	simm.s32 @!p0 $0x0;
	v6 =	vld [tilespmem:s21+$0x10]  }
0x42: {  	v0 =	vmov s16;
	s31 =	smul.u32 $0x10400, s20;
	v7 =	vld [tilespmem:s21+$0x20]  }
0x43: {  	v9 =	vld [tilespmem:s21+$0x30]  }
0x44: {  	s18 =	sshrl.u32 s31, $0x2;
	v10 =	vld [tilespmem:s21+$0x40]  }
0x45: {  	s18 =	sor.u32 $0x8000, s18;
	v11 =	vld [tilespmem:s21+$0x50]  }
0x46: {  	v8 =	vld [tilespmem:s21+$0x60];
	s19 =	sadd.s32 $0x0, s18  }
0x47: {  	v1 =	vld.idx.msk [tilespmem:v0+s17+$0x410 ss:$0x1], $0xffff;
	[tilespmem:s19+$0x2080 ss:$0x41] =	vst.msk $0xffff, v4  }
0x48: {  	v2 =	vld.idx.msk [tilespmem:v0+s17+$0x420 ss:$0x1], $0xffff;
	[tilespmem:s19+$0x0 ss:$0x41] =	vst.msk $0xffff, v5  }
0x49: {  	v3 =	vld.idx.msk [tilespmem:v0+s17+$0x430 ss:$0x1], $0xffff;
	[tilespmem:s19+$0x410 ss:$0x41] =	vst.msk $0xffff, v6  }
0x4a: {  	s15 =	smul.u32 $0x10400, s15;
	[tilespmem:s19+$0x820 ss:$0x41] =	vst.msk $0xffff, v7;
	v7 =	vld [tilespmem:s21+$0x70]  }
0x4b: {  	s22 =	simm.s32 $0x100;
	s23 =	simm.s32 $0x8;
	[tilespmem:s19+$0xC30 ss:$0x41] =	vst.msk $0xffff, v9;
	v4 =	vld.idx.msk [tilespmem:v0+s17+$0x440 ss:$0x1], $0xffff  }
0x4c: {  	s24 =	sand.u32 $0x3800, s22;
	s15 =	sshrl.u32 s15, $0x2;
	[tilespmem:s19+$0x1040 ss:$0x41] =	vst.msk $0xffff, v10;
	v5 =	vld.idx.msk [tilespmem:v0+s17+$0x450 ss:$0x1], $0xffff;
	s21 =	simm.s32 $0x80  }
0x4d: {  	s20 =	simm.s32 $0x4;
	s15 =	sor.u32 $0x8000, s15;
	[tilespmem:s19+$0x1450 ss:$0x41] =	vst.msk $0xffff, v11;
	v6 =	vld.idx.msk [tilespmem:v0+s17+$0x460 ss:$0x1], $0xffff;
	s25 =	sand.u32 $0x380, s21  }
.LBB1_3:
0x4e: {  	p1 =	sne.s32 s23, $0xFC;
	[tilespmem:s19+$0x1860 ss:$0x41] =	vst.msk $0xffff, v8;
	v8 =	vld.idx.msk [tilespmem:v0+s17+$0x470 ss:$0x1], $0xffff;
	s17 =	sor.u32 s25, s24  }
0x4f: {  	s24 =	sand.u32 $0x3B00, s17;
	v9 =	vld.idx.msk [tilespmem:v0+s17+$0x410 ss:$0x1], $0xffff;
	[tilespmem:s19+$0x1C70 ss:$0x41] =	vst.msk $0xffff, v7  }
0x50: {  	s25 =	sand.u32 $0x80, s21;
	s24 =	sadd.s32 s24, s16;
	v7 =	vld.idx.msk [tilespmem:v0+s17+$0x420 ss:$0x1], $0xffff;
	[tilespmem:s19+$0x2490 ss:$0x41] =	vst.msk $0xffff, v1  }
0x51: {  	s24 =	sadd.s32 s25, s24;
	v10 =	vld.idx.msk [tilespmem:v0+s17+$0x430 ss:$0x1], $0xffff;
	[tilespmem:s19+$0x28A0 ss:$0x41] =	vst.msk $0xffff, v2  }
0x52: {  	v11 =	vld [tilespmem:s24+$0x400];
	[tilespmem:s19+$0x2CB0 ss:$0x41] =	vst.msk $0xffff, v3  }
0x53: {  	v12 =	vld [tilespmem:s24+$0x0];
	[tilespmem:s19+$0x30C0 ss:$0x41] =	vst.msk $0xffff, v4  }
0x54: {  	v4 =	vld [tilespmem:s24+$0x10];
	[tilespmem:s19+$0x34D0 ss:$0x41] =	vst.msk $0xffff, v5  }
0x55: {  	s25 =	sshra.s32 s20, $0x2;
	s20 =	smov.u32 s23;
	v1 =	vmov v9;
	v5 =	vld [tilespmem:s24+$0x20];
	[tilespmem:s19+$0x38E0 ss:$0x41] =	vst.msk $0xffff, v6  }
0x56: {  	v2 =	vmov v7;
	v6 =	vld [tilespmem:s24+$0x30];
	[tilespmem:s19+$0x3CF0 ss:$0x41] =	vst.msk $0xffff, v8;
	s19 =	sadd.s32 s25, s18  }
0x57: {  	v3 =	vmov v10;
	v9 =	vld [tilespmem:s24+$0x40];
	[tilespmem:s19+$0x2080 ss:$0x41] =	vst.msk $0xffff, v11  }
0x58: {  	[tilespmem:s19+$0x0 ss:$0x41] =	vst.msk $0xffff, v12;
	v10 =	vld [tilespmem:s24+$0x50]  }
.Ltmp3:
0x59: {  	[tilespmem:s19+$0x410 ss:$0x41] =	vst.msk $0xffff, v4;
	v8 =	vld [tilespmem:s24+$0x60];
	(pc) =	sbr.rel @p1 .LBB1_3-.Ltmp3, $4  }
0x5a: {  	[tilespmem:s19+$0x820 ss:$0x41] =	vst.msk $0xffff, v5;
	v7 =	vld [tilespmem:s24+$0x70]  }
0x5b: {  	[tilespmem:s19+$0xC30 ss:$0x41] =	vst.msk $0xffff, v6;
	v4 =	vld.idx.msk [tilespmem:v0+s17+$0x440 ss:$0x1], $0xffff  }
0x5c: {  	s21 =	sadd.s32 $0x80, s21;
	s22 =	sadd.s32 $0x100, s22;
	[tilespmem:s19+$0x1040 ss:$0x41] =	vst.msk $0xffff, v9;
	v5 =	vld.idx.msk [tilespmem:v0+s17+$0x450 ss:$0x1], $0xffff  }
0x5d: {  	s23 =	sadd.s32 $0x4, s23;
	s25 =	sand.u32 $0x380, s21;
	s24 =	sand.u32 $0x3800, s22;
	[tilespmem:s19+$0x1450 ss:$0x41] =	vst.msk $0xffff, v10;
	v6 =	vld.idx.msk [tilespmem:v0+s17+$0x460 ss:$0x1], $0xffff  }
.Ltmp4:
0x5e: {  	_ = 	snop;
	(pc) =	sbr.rel .LBB1_4-.Ltmp4, $1  }
0x5f: {  	_ =	sdelay $0x3  }
.LBB1_6:
0x60: {  	_ =	sfence.sel $0x180000  }
0x61: {  	s1 =	simm.s32 $0x1;
	[bflag:$0x0] =	sbarrier.arrive $0xFFFF  }
0x62: {  	s31 =	simm.s32 $0x2;
	[sflag:s1] =	ssyncpa.u1 $0x1  }
0x63: {  	[sflag:s31] =	ssyncpa.u1 $0x1  }
0x64: {  	p0 =	sne.s32 s0, $0x0;
	_ =	strace $0x90000047  }
0x65: {  	s0 =	sadd.s32 @!p0 $0x100000, s3;
	[bflag:$0x2] =	sbarrier.arrive $0xFFFF  }
0x66: {  	[sflag:s0] =	ssyncadd.tile.s32 @!p0 $0x1;
	_ =	shalt  }
.Lfunc_end1:
_tile_overlayer_lowered:
.L_overlay_start_2:
0x67: {  	(tag) =	ssettag $0x2  }
0x68: {  	s0 =	rddreg [dreg:$0x0];
	s2 =	stileid.u32  }
0x69: {  	s1 =	rddreg [dreg:$0x1];
	p0 =	sne.s32 s2, $0x0  }
0x6a: {  	s3 =	rddreg [dreg:$0x2];
	[bflag:$0x3] =	sbarrier.arrive $0xFFFF;
	s2 =	simm.s32 @!p0 $0x1C01  }
0x6b: {  	[timem:s3], [sflag:s2] =	dma.local @!p0 [hbm:s0], s1  }
0x6c: {  	s0 =	simm.s32 @!p0 $0x1  }
0x6d: {  	_ =	swait.ge @!p0 [sflag:s0], s1  }
0x6e: {  	s1 =	ssub.s32 @!p0 $0x0, s1;
	[sflag:s0] =	ssyncset.done @!p0 $0x0  }
0x6f: {  	[sflag:s0] =	ssyncadd.s32 @!p0 s1  }
0x70: {  	[bflag:$0x3] =	sbarrier.arrive $0xFFFF  }
0x71: {  	_ =	shalt  }

</sc_bundles>
